<compile_context>
chip_gen: v7x
topology: tpu7x:2x2x1
jax: 0.10.2.dev20260603
libtpu: 0.0.44.dev20260713+nightly
codegen_flags: <defaults>
</compile_context>

<pallas_src>
import functools

import jax
import jax.numpy as jnp
from jax import lax
from jax.experimental import pallas as pl
from jax.experimental.pallas import tpu as pltpu
from jax.experimental.pallas import tpu_sc as plsc

NC = 2
NS = 16
NW = NC * NS
CHUNK = 128
LANES = 16


def _sc_mesh():
  return plsc.VectorSubcoreMesh(core_axis_name="c", subcore_axis_name="s")


@functools.partial(jax.jit, static_argnums=(1, 2, 3))
def _sc_deg(dst, n_pad, e_pad, cpw0):
  ct16 = e_pad // CHUNK // NS
  cpw1 = ct16 - cpw0
  cpw = max(cpw0, cpw1)
  rpt = n_pad // NS

  @functools.partial(
      pl.kernel,
      mesh=_sc_mesh(),
      compiler_params=pltpu.CompilerParams(use_tc_tiling_on_sc=False),
      out_type=jax.ShapeDtypeStruct((NC * n_pad,), jnp.float32),
      scratch_types=[
          pltpu.VMEM((cpw, CHUNK), jnp.int32),
          pltpu.VMEM((CHUNK,), jnp.float32),
          pltpu.VMEM((rpt,), jnp.float32),
          pltpu.VMEM_SHARED((n_pad,), jnp.float32),
          pltpu.SemaphoreType.DMA,
          pltpu.SemaphoreType.DMA,
      ],
  )
  def deg_kernel(dst_hbm, out_hbm, didx_v, ones_v, bounce_v, acc_sh,
                 sem_i, sem_s):
    c = lax.axis_index("c")
    s = lax.axis_index("s")
    cpw_c = jnp.where(c == 0, cpw0, cpw1)
    base = jnp.where(c == 0, s * cpw0, NS * cpw0 + s * cpw1) * CHUNK

    def ld(i, _):
      pltpu.async_copy(
          dst_hbm.at[pl.ds(base + i * CHUNK, CHUNK)], didx_v.at[i], sem_i)
      return 0
    lax.fori_loop(0, cpw_c, ld, 0)

    def init_ones(i, _):
      ones_v[pl.ds(i * LANES, LANES)] = jnp.full((LANES,), 1.0, jnp.float32)
      return 0
    lax.fori_loop(0, CHUNK // LANES, init_ones, 0)

    def init_zero(i, _):
      bounce_v[pl.ds(i * LANES, LANES)] = jnp.zeros((LANES,), jnp.float32)
      return 0
    lax.fori_loop(0, rpt // LANES, init_zero, 0)

    pltpu.sync_copy(bounce_v, acc_sh.at[pl.ds(s * rpt, rpt)])

    def ld_drain(i, _):
      pltpu.make_async_copy(
          dst_hbm.at[pl.ds(0, CHUNK)], didx_v.at[0], sem_i).wait()
      return 0
    lax.fori_loop(0, cpw_c, ld_drain, 0)
    plsc.subcore_barrier()

    def body(i, _):
      pltpu.async_copy(ones_v, acc_sh.at[didx_v.at[i]], sem_s, add=True)
      return 0
    lax.fori_loop(0, cpw_c, body, 0)

    def drain(i, _):
      pltpu.make_async_copy(ones_v, acc_sh.at[didx_v.at[0]], sem_s).wait()
      return 0
    lax.fori_loop(0, cpw_c, drain, 0)

    plsc.subcore_barrier()
    pltpu.sync_copy(acc_sh.at[pl.ds(s * rpt, rpt)], bounce_v)
    pltpu.sync_copy(bounce_v, out_hbm.at[pl.ds(c * n_pad + s * rpt, rpt)])

  return deg_kernel(dst)


RING = 5
PF = 3
RP = RING - PF
DI = 10
KI = 8


@functools.partial(jax.jit, static_argnums=(3, 4, 5, 6))
def _sc_agg(table, src, dst, n_pad, e_pad, h, cpw0):
  ct16 = e_pad // CHUNK // NS
  cpw1 = ct16 - cpw0
  rpt = n_pad // NS
  zr = 32
  nz = rpt // zr

  @functools.partial(
      pl.kernel,
      mesh=_sc_mesh(),
      compiler_params=pltpu.CompilerParams(use_tc_tiling_on_sc=False),
      out_type=jax.ShapeDtypeStruct((NC * n_pad, h), jnp.float32),
      scratch_types=[
          pltpu.VMEM((DI, CHUNK), jnp.int32),
          pltpu.VMEM((DI, CHUNK), jnp.int32),
          pltpu.VMEM((RING, CHUNK, h), jnp.float32),
          pltpu.VMEM((zr, h), jnp.float32),
          pltpu.VMEM_SHARED((n_pad, h), jnp.float32),
          pltpu.SemaphoreType.DMA((DI,)),
          pltpu.SemaphoreType.DMA((RING,)),
          pltpu.SemaphoreType.DMA((RING,)),
      ],
  )
  def agg_kernel(tbl_hbm, src_hbm, dst_hbm, out_hbm,
                 sidx_v, didx_v, rows_v, bounce_v, acc_sh,
                 sem_i, sem_g, sem_s):
    c = lax.axis_index("c")
    s = lax.axis_index("s")
    cpw_c = jnp.where(c == 0, cpw0, cpw1)
    base = jnp.where(c == 0, s * cpw0, NS * cpw0 + s * cpw1) * CHUNK

    def ld(i, sl):
      pltpu.async_copy(
          src_hbm.at[pl.ds(base + i * CHUNK, CHUNK)], sidx_v.at[sl],
          sem_i.at[sl])
      pltpu.async_copy(
          dst_hbm.at[pl.ds(base + i * CHUNK, CHUNK)], didx_v.at[sl],
          sem_i.at[sl])

    def iwait(sl):
      pltpu.make_async_copy(
          src_hbm.at[pl.ds(0, CHUNK)], sidx_v.at[0], sem_i.at[sl]).wait()
      pltpu.make_async_copy(
          src_hbm.at[pl.ds(0, CHUNK)], didx_v.at[0], sem_i.at[sl]).wait()

    def gather(i, b, sl):
      del i
      pltpu.async_copy(tbl_hbm.at[sidx_v.at[sl]], rows_v.at[b], sem_g.at[b])

    def gwait(b):
      pltpu.make_async_copy(
          tbl_hbm.at[sidx_v.at[0]], rows_v.at[b], sem_g.at[b]).wait()

    def scatter(i, b, sl):
      del i
      pltpu.async_copy(
          rows_v.at[b], acc_sh.at[didx_v.at[sl]], sem_s.at[b], add=True)

    def swait(b):
      pltpu.make_async_copy(
          rows_v.at[b], acc_sh.at[didx_v.at[0]], sem_s.at[b]).wait()

    @pl.when(cpw_c > 0)
    def _work():
      for t in range(KI):
        ld(t, t)

      def init_zero(i, _):
        r = i // (h // LANES)
        j = i % (h // LANES)
        bounce_v[r, pl.ds(j * LANES, LANES)] = jnp.zeros(
            (LANES,), jnp.float32)
        return 0
      lax.fori_loop(0, zr * (h // LANES), init_zero, 0)

      def zero_acc(k, _):
        pltpu.sync_copy(bounce_v, acc_sh.at[pl.ds(s * rpt + k * zr, zr)])
        return 0
      lax.fori_loop(0, nz, zero_acc, 0)
      plsc.subcore_barrier()

      for t in range(PF):
        iwait(t)
        gather(t, t % RING, t)

      def handler(ibase, jj, t, load_ok, gather_ok, guard):
        i = ibase + t
        b = t % RING
        bp = (b + PF) % RING
        gwait(b)
        scatter(i, b, t)
        if guard:
          @pl.when(jj > 0)
          def _():
            swait(bp)
        else:
          swait(bp)
        if load_ok:
          ld(i + KI, (t + KI) % DI)
        if gather_ok:
          iwait((t + PF) % DI)
          gather(i + PF, bp, (t + PF) % DI)

      def group(jj, _):
        ibase = jj * DI
        for t in range(DI):
          handler(ibase, jj, t, True, True, t < RP)
        return 0
      lax.fori_loop(0, cpw_c // DI - 1, group, 0)

      ibase = cpw_c - DI
      for t in range(DI):
        handler(ibase, 1, t, t + KI < DI, t + PF < DI, False)
      for t in range(DI - RP, DI):
        swait(t % RING)

      plsc.subcore_barrier()

      def writeout(k, _):
        pltpu.sync_copy(acc_sh.at[pl.ds(s * rpt + k * zr, zr)], bounce_v)
        pltpu.sync_copy(
            bounce_v, out_hbm.at[pl.ds(c * n_pad + s * rpt + k * zr, zr)])
        return 0
      lax.fori_loop(0, nz, writeout, 0)

  return agg_kernel(table, src, dst)


def _tc_mm1(x_p, w0, degp, n_pad, bm=1024):
  nfeat = x_p.shape[1]
  h0 = w0.shape[1]

  def body(x_ref, w_ref, dg_ref, m_ref, dv_ref):
    dsum = dg_ref[0:1, :] + dg_ref[1:2, :] + 1.0
    dcol = jnp.transpose(lax.rsqrt(dsum), (1, 0))
    acc = jnp.dot(x_ref[...], w_ref[...], preferred_element_type=jnp.float32)
    m_ref[...] = acc * dcol
    dv_ref[...] = dcol

  return pl.pallas_call(
      body,
      grid=(n_pad // bm,),
      in_specs=[
          pl.BlockSpec((bm, nfeat), lambda i: (i, 0)),
          pl.BlockSpec((nfeat, h0), lambda i: (0, 0)),
          pl.BlockSpec((NC, bm), lambda i: (0, i)),
      ],
      out_specs=[
          pl.BlockSpec((bm, h0), lambda i: (i, 0)),
          pl.BlockSpec((bm, 1), lambda i: (i, 0)),
      ],
      out_shape=[
          jax.ShapeDtypeStruct((n_pad, h0), jnp.float32),
          jax.ShapeDtypeStruct((n_pad, 1), jnp.float32),
      ],
  )(x_p, w0, degp)


def _tc_mid(p0, p1, m1s, dinv, b0r, w1, n_pad, bm=1024):
  h0 = m1s.shape[1]
  ncls = w1.shape[1]

  def body(p0_ref, p1_ref, m_ref, dv_ref, b_ref, w_ref, o_ref):
    t = (p0_ref[...] + p1_ref[...] + m_ref[...]) * dv_ref[...] + b_ref[...]
    h1 = jnp.maximum(t, 0.0)
    o_ref[...] = jnp.dot(
        h1, w_ref[...], preferred_element_type=jnp.float32) * dv_ref[...]

  return pl.pallas_call(
      body,
      grid=(n_pad // bm,),
      in_specs=[
          pl.BlockSpec((bm, h0), lambda i: (i, 0)),
          pl.BlockSpec((bm, h0), lambda i: (i, 0)),
          pl.BlockSpec((bm, h0), lambda i: (i, 0)),
          pl.BlockSpec((bm, 1), lambda i: (i, 0)),
          pl.BlockSpec((1, h0), lambda i: (0, 0)),
          pl.BlockSpec((h0, ncls), lambda i: (0, 0)),
      ],
      out_specs=pl.BlockSpec((bm, ncls), lambda i: (i, 0)),
      out_shape=jax.ShapeDtypeStruct((n_pad, ncls), jnp.float32),
  )(p0, p1, m1s, dinv, b0r, w1)


def _tc_out(q0, q1, m2s, dinv, b1r, n_pad, bm=1024):
  ncls = m2s.shape[1]

  def body(q0_ref, q1_ref, m_ref, dv_ref, b_ref, o_ref):
    t = (q0_ref[...] + q1_ref[...] + m_ref[...]) * dv_ref[...] + b_ref[...]
    z = jnp.maximum(t, 0.0)
    zmax = jnp.max(z, axis=1, keepdims=True)
    e = jnp.exp(z - zmax)
    ssum = jnp.sum(e, axis=1, keepdims=True)
    o_ref[...] = (z - zmax) - jnp.log(ssum)

  return pl.pallas_call(
      body,
      grid=(n_pad // bm,),
      in_specs=[
          pl.BlockSpec((bm, ncls), lambda i: (i, 0)),
          pl.BlockSpec((bm, ncls), lambda i: (i, 0)),
          pl.BlockSpec((bm, ncls), lambda i: (i, 0)),
          pl.BlockSpec((bm, 1), lambda i: (i, 0)),
          pl.BlockSpec((1, ncls), lambda i: (0, 0)),
      ],
      out_specs=pl.BlockSpec((bm, ncls), lambda i: (i, 0)),
      out_shape=jax.ShapeDtypeStruct((n_pad, ncls), jnp.float32),
  )(q0, q1, m2s, dinv, b1r)


def kernel(x, edge_index, W0, b0, W1, b1):
  n, nfeat = x.shape
  e = edge_index.shape[1]

  n_pad = -(-n // 2048) * 2048
  eq = NS * CHUNK * 2 * DI
  e_pad = -(-e // eq) * eq
  ct16 = e_pad // CHUNK // NS
  cpw0 = (ct16 * 75 // 100 // DI) * DI
  cpw0 = max(DI, min(ct16 - DI, cpw0))

  x_p = jnp.zeros((n_pad, nfeat), jnp.float32).at[:n].set(x)
  pad = jnp.full((e_pad - e,), n, jnp.int32)
  src = jnp.concatenate([edge_index[0], pad])
  dst = jnp.concatenate([edge_index[1], pad])

  degp = _sc_deg(dst, n_pad, e_pad, cpw0).reshape(NC, n_pad)
  m1s, dinv = _tc_mm1(x_p, W0, degp, n_pad)

  p = _sc_agg(m1s, src, dst, n_pad, e_pad, W0.shape[1], cpw0)
  p = p.reshape(NC, n_pad, -1)
  m2s = _tc_mid(p[0], p[1], m1s, dinv, b0.reshape(1, -1), W1, n_pad)

  q = _sc_agg(m2s, src, dst, n_pad, e_pad, W1.shape[1], cpw0)
  q = q.reshape(NC, n_pad, -1)
  out = _tc_out(q[0], q[1], m2s, dinv, b1.reshape(1, -1), n_pad)
  return out[:n]

# --- scband reference (transcript-rebuilt; emitter-appended) ---
"""Pipeline reference for scband-gcn-68728066670865 (READ-ONLY COPY).

The authoritative reference and input builder live on the scoring server;
editing this copy changes nothing except your own understanding.
"""

import jax, jax.numpy as jnp
import numpy as np

N = 10000
E = 320000
NFEAT = 128
H0 = 96
NCLASS = 64


def setup_inputs(seed: int = 0) -> dict:
    key = jax.random.key(seed)
    k1, k2, k3, k4 = jax.random.split(key, 4)
    x = jax.random.normal(k1, (N, NFEAT), dtype=jnp.float32)
    edge_index = jax.random.randint(k2, (2, E), 0, N, dtype=jnp.int32)
    W0 = jax.random.normal(k3, (NFEAT, H0), dtype=jnp.float32) * (1.0 / np.sqrt(NFEAT))
    b0 = jnp.zeros((H0,), dtype=jnp.float32)
    W1 = jax.random.normal(k4, (H0, NCLASS), dtype=jnp.float32) * (1.0 / np.sqrt(H0))
    b1 = jnp.zeros((NCLASS,), dtype=jnp.float32)
    return {"x": x, "edge_index": edge_index, "W0": W0, "b0": b0, "W1": W1, "b1": b1}


def gcn_conv(x, edge_index, W, b):
    # GCNConv with normalize=True: x' = D^{-1/2} (A + I) D^{-1/2} X W + b
    n = x.shape[0]
    loop = jnp.arange(n, dtype=edge_index.dtype)
    src = jnp.concatenate([edge_index[0], loop])
    dst = jnp.concatenate([edge_index[1], loop])
    deg = jnp.zeros((n,), dtype=x.dtype).at[dst].add(1.0)
    dinv = jnp.where(deg > 0, jax.lax.rsqrt(jnp.maximum(deg, 1e-12)), 0.0)
    norm = (dinv[src] * dinv[dst])[:, None]
    h = x @ W
    msg = jnp.take(h, src, axis=0) * norm
    out = jnp.zeros((n, h.shape[1]), dtype=x.dtype).at[dst].add(msg)
    return out + b


def reference(x, edge_index, W0, b0, W1, b1):
    # forward loops over nhid+1 = 2 layers, relu after EVERY layer (incl. last),
    # dropout p=0.0 (identity), then log_softmax over classes.
    h = jax.nn.relu(gcn_conv(x, edge_index, W0, b0))
    h = jax.nn.relu(gcn_conv(h, edge_index, W1, b1))
    return jax.nn.log_softmax(h, axis=1)

if __name__ == "__main__":
    import jax
    _d = setup_inputs()
    print(jax.jit(kernel)(*tuple(_d.values())))

</pallas_src>

<mosaic_0001>
#map = affine_map<(d0, d1) -> (0)>
module attributes {stable_mosaic.version = 14 : i64} {
  func.func @deg_kernel(%arg0: i32, %arg1: i32, %arg2: memref<327680xi32, #tpu.memory_space<hbm>>, %arg3: memref<20480xf32, #tpu.memory_space<hbm>>, %arg4: memref<120x128xi32, #tpu.memory_space<vmem>>, %arg5: memref<128xf32, #tpu.memory_space<vmem>>, %arg6: memref<640xf32, #tpu.memory_space<vmem>>, %arg7: memref<10240xf32, #tpu.memory_space<vmem_shared>>, %arg8: memref<!tpu.dma_semaphore, #tpu.memory_space<semaphore_mem>>, %arg9: memref<!tpu.dma_semaphore, #tpu.memory_space<semaphore_mem>>) attributes {dimension_semantics = [#tpu.dimension_semantics<core_parallel>, #tpu.dimension_semantics<subcore_parallel>], iteration_bounds = array<i64: 2, 16>, scalar_prefetch = 0 : i64, scratch_operands = 6 : i64, tpu.core_type = #tpu.core_type<sc_vector_subcore>, window_params = [{transform_indices = #map}, {transform_indices = #map}]} {
    %eq3A = arith.constant 0 : i32
    %eq3A_0 = arith.cmpi eq, %arg0, %eq3A : i32
    %jit3A = arith.constant 120 : i32
    %jit3A_1 = arith.constant 40 : i32
    %select_n3A = arith.select %eq3A_0, %jit3A, %jit3A_1 : i32
    %eq3A_2 = arith.constant 0 : i32
    %eq3A_3 = arith.cmpi eq, %arg0, %eq3A_2 : i32
    %mul3A = arith.constant 120 : i32
    %mul3A_4 = arith.muli %arg1, %mul3A : i32
    %mul3A_5 = arith.constant 40 : i32
    %mul3A_6 = arith.muli %arg1, %mul3A_5 : i32
    %add3A = arith.constant 1920 : i32
    %add3A_7 = arith.addi %add3A, %mul3A_6 : i32
    %select_n3A_8 = arith.select %eq3A_3, %mul3A_4, %add3A_7 : i32
    %mul3A_9 = arith.constant 128 : i32
    %mul3A_10 = arith.muli %select_n3A_8, %mul3A_9 : i32
    %while3A = arith.constant 0 : i32
    %while3A_11 = arith.constant 0 : i32
    %while3A_12 = arith.subi %select_n3A, %while3A : i32
    %while3A_13 = arith.addi %while3A, %while3A_12 : i32
    %while3A_14 = arith.constant 1 : i32
    %while3A_15 = arith.divsi %while3A_12, %while3A_14 : i32
    %while3A_16 = arith.muli %while3A_15, %while3A_14 : i32
    %while3A_17 = arith.addi %while3A, %while3A_16 : i32
    %while3A_18 = arith.constant 1 : i32
    %while3A_19 = scf.for %while3A_81 = %while3A to %while3A_17 step %while3A_18 iter_args(%while3A_82 = %while3A_11) -> (i32)  : i32 {
      %mul3A_83 = arith.constant 128 : i32
      %mul3A_84 = arith.muli %while3A_81, %mul3A_83 : i32
      %add3A_85 = arith.addi %mul3A_10, %mul3A_84 : i32
      %dma_start3A = arith.constant 0 : i32
      %dma_start3A_86 = tpu.memref_slice %arg4[%while3A_81, %dma_start3A] : memref<120x128xi32, #tpu.memory_space<vmem>> -> memref<1x128xi32, #tpu.memory_space<vmem>>
      %dma_start3A_87 = tpu.memref_squeeze %dma_start3A_86 : memref<1x128xi32, #tpu.memory_space<vmem>> -> memref<128xi32, #tpu.memory_space<vmem>>
      %dma_start3A_88 = tpu.memref_slice %arg2[%add3A_85] : memref<327680xi32, #tpu.memory_space<hbm>> -> memref<128xi32, #tpu.memory_space<hbm>>
      %dma_start3A_89 = arith.constant 0 : i32
      %dma_start3A_90 = tpu.memref_slice %arg4[%while3A_81, %dma_start3A_89] : memref<120x128xi32, #tpu.memory_space<vmem>> -> memref<1x128xi32, #tpu.memory_space<vmem>>
      %dma_start3A_91 = tpu.memref_squeeze %dma_start3A_90 : memref<1x128xi32, #tpu.memory_space<vmem>> -> memref<128xi32, #tpu.memory_space<vmem>>
      %dma_start3A_92 = tpu.memref_slice %arg2[%add3A_85] : memref<327680xi32, #tpu.memory_space<hbm>> -> memref<128xi32, #tpu.memory_space<hbm>>
      tpu.enqueue_dma source(%dma_start3A_92 : memref<128xi32, #tpu.memory_space<hbm>>) target(%dma_start3A_91 : memref<128xi32, #tpu.memory_space<vmem>>) target_semaphore(%arg8 : memref<!tpu.dma_semaphore, #tpu.memory_space<semaphore_mem>>)
      %while3A_93 = arith.constant 0 : i32
      scf.yield %while3A_93 : i32
    }
    %while3A_20 = arith.constant 1 : i32
    %while3A_21 = scf.for %while3A_81 = %while3A_17 to %while3A_13 step %while3A_20 iter_args(%while3A_82 = %while3A_19) -> (i32)  : i32 {
      %mul3A_83 = arith.constant 128 : i32
      %mul3A_84 = arith.muli %while3A_81, %mul3A_83 : i32
      %add3A_85 = arith.addi %mul3A_10, %mul3A_84 : i32
      %dma_start3A = arith.constant 0 : i32
      %dma_start3A_86 = tpu.memref_slice %arg4[%while3A_81, %dma_start3A] : memref<120x128xi32, #tpu.memory_space<vmem>> -> memref<1x128xi32, #tpu.memory_space<vmem>>
      %dma_start3A_87 = tpu.memref_squeeze %dma_start3A_86 : memref<1x128xi32, #tpu.memory_space<vmem>> -> memref<128xi32, #tpu.memory_space<vmem>>
      %dma_start3A_88 = tpu.memref_slice %arg2[%add3A_85] : memref<327680xi32, #tpu.memory_space<hbm>> -> memref<128xi32, #tpu.memory_space<hbm>>
      %dma_start3A_89 = arith.constant 0 : i32
      %dma_start3A_90 = tpu.memref_slice %arg4[%while3A_81, %dma_start3A_89] : memref<120x128xi32, #tpu.memory_space<vmem>> -> memref<1x128xi32, #tpu.memory_space<vmem>>
      %dma_start3A_91 = tpu.memref_squeeze %dma_start3A_90 : memref<1x128xi32, #tpu.memory_space<vmem>> -> memref<128xi32, #tpu.memory_space<vmem>>
      %dma_start3A_92 = tpu.memref_slice %arg2[%add3A_85] : memref<327680xi32, #tpu.memory_space<hbm>> -> memref<128xi32, #tpu.memory_space<hbm>>
      tpu.enqueue_dma source(%dma_start3A_92 : memref<128xi32, #tpu.memory_space<hbm>>) target(%dma_start3A_91 : memref<128xi32, #tpu.memory_space<vmem>>) target_semaphore(%arg8 : memref<!tpu.dma_semaphore, #tpu.memory_space<semaphore_mem>>)
      %while3A_93 = arith.constant 0 : i32
      scf.yield %while3A_93 : i32
    }
    %scan3A = arith.constant 0 : i32
    %scan3A_22 = arith.constant 0 : i32
    %scan3A_23 = arith.constant 8 : i32
    %scan3A_24 = arith.addi %scan3A_22, %scan3A_23 : i32
    %scan3A_25 = arith.constant 1 : i32
    %scan3A_26 = scf.for %scan3A_81 = %scan3A_22 to %scan3A_24 step %scan3A_25 iter_args(%scan3A_82 = %scan3A) -> (i32)  : i32 {
      %broadcast_in_dim3A = arith.constant 1.000000e+00 : f32
      %broadcast_in_dim3A_83 = vector.broadcast %broadcast_in_dim3A : f32 to vector<16xf32>
      %mul3A_84 = arith.constant 16 : i32
      %mul3A_85 = arith.muli %scan3A_81, %mul3A_84 : i32
      %swap3A = arith.index_cast %mul3A_85 : i32 to index
      %swap3A_86 = tpu.vector_load %arg5[%swap3A] {strides = array<i32>} : memref<128xf32, #tpu.memory_space<vmem>>, vector<16xf32>,
      %swap3A_87 = vector.shape_cast %swap3A_86 : vector<16xf32> to vector<16xf32>
      %swap3A_88 = vector.shape_cast %broadcast_in_dim3A_83 : vector<16xf32> to vector<16xf32>
      tpu.vector_store %arg5[%swap3A], %swap3A_88 {strides = array<i32>} : memref<128xf32, #tpu.memory_space<vmem>>, vector<16xf32>,
      %scan3A_89 = arith.constant 0 : i32
      scf.yield %scan3A_89 : i32
    }
    %scan3A_27 = arith.constant 8 : i32
    %scan3A_28 = arith.constant 0 : i32
    %scan3A_29 = arith.constant 0 : i32
    %scan3A_30 = arith.constant 40 : i32
    %scan3A_31 = arith.addi %scan3A_29, %scan3A_30 : i32
    %scan3A_32 = arith.constant 1 : i32
    %scan3A_33 = scf.for %scan3A_81 = %scan3A_29 to %scan3A_31 step %scan3A_32 iter_args(%scan3A_82 = %scan3A_28) -> (i32)  : i32 {
      %broadcast_in_dim3A = arith.constant 0.000000e+00 : f32
      %broadcast_in_dim3A_83 = vector.broadcast %broadcast_in_dim3A : f32 to vector<16xf32>
      %mul3A_84 = arith.constant 16 : i32
      %mul3A_85 = arith.muli %scan3A_81, %mul3A_84 : i32
      %swap3A = arith.index_cast %mul3A_85 : i32 to index
      %swap3A_86 = tpu.vector_load %arg6[%swap3A] {strides = array<i32>} : memref<640xf32, #tpu.memory_space<vmem>>, vector<16xf32>,
      %swap3A_87 = vector.shape_cast %swap3A_86 : vector<16xf32> to vector<16xf32>
      %swap3A_88 = vector.shape_cast %broadcast_in_dim3A_83 : vector<16xf32> to vector<16xf32>
      tpu.vector_store %arg6[%swap3A], %swap3A_88 {strides = array<i32>} : memref<640xf32, #tpu.memory_space<vmem>>, vector<16xf32>,
      %scan3A_89 = arith.constant 0 : i32
      scf.yield %scan3A_89 : i32
    }
    %scan3A_34 = arith.constant 40 : i32
    %mul3A_35 = arith.constant 640 : i32
    %mul3A_36 = arith.muli %arg1, %mul3A_35 : i32
    "tpu.region"() ({
      %run_scoped3A = tpu.sem_alloc : memref<!tpu.dma_semaphore, #tpu.memory_space<semaphore_mem>>
      %dma_start3A = tpu.memref_slice %arg7[%mul3A_36] : memref<10240xf32, #tpu.memory_space<vmem_shared>> -> memref<640xf32, #tpu.memory_space<vmem_shared>>
      %dma_start3A_81 = tpu.memref_slice %arg7[%mul3A_36] : memref<10240xf32, #tpu.memory_space<vmem_shared>> -> memref<640xf32, #tpu.memory_space<vmem_shared>>
      tpu.enqueue_dma source(%arg6 : memref<640xf32, #tpu.memory_space<vmem>>) target(%dma_start3A_81 : memref<640xf32, #tpu.memory_space<vmem_shared>>) target_semaphore(%run_scoped3A : memref<!tpu.dma_semaphore, #tpu.memory_space<semaphore_mem>>)
      %dma_wait3A = tpu.memref_slice %arg7[%mul3A_36] : memref<10240xf32, #tpu.memory_space<vmem_shared>> -> memref<640xf32, #tpu.memory_space<vmem_shared>>
      %dma_wait3A_82 = tpu.memref_slice %arg7[%mul3A_36] : memref<10240xf32, #tpu.memory_space<vmem_shared>> -> memref<640xf32, #tpu.memory_space<vmem_shared>>
      tpu.wait_dma2 semaphore(%run_scoped3A : memref<!tpu.dma_semaphore, #tpu.memory_space<semaphore_mem>>) src(%arg6 : memref<640xf32, #tpu.memory_space<vmem>>) dst(%dma_wait3A_82 : memref<640xf32, #tpu.memory_space<vmem_shared>>)
      tpu.yield
    }) : () -> ()
    %while3A_37 = arith.constant 0 : i32
    %while3A_38 = arith.constant 0 : i32
    %while3A_39 = arith.subi %select_n3A, %while3A_37 : i32
    %while3A_40 = arith.addi %while3A_37, %while3A_39 : i32
    %while3A_41 = arith.constant 1 : i32
    %while3A_42 = arith.divsi %while3A_39, %while3A_41 : i32
    %while3A_43 = arith.muli %while3A_42, %while3A_41 : i32
    %while3A_44 = arith.addi %while3A_37, %while3A_43 : i32
    %while3A_45 = arith.constant 1 : i32
    %while3A_46 = scf.for %while3A_81 = %while3A_37 to %while3A_44 step %while3A_45 iter_args(%while3A_82 = %while3A_38) -> (i32)  : i32 {
      %dma_wait3A = arith.constant 0 : i32
      %dma_wait3A_83 = arith.constant 0 : i32
      %dma_wait3A_84 = tpu.memref_slice %arg4[%dma_wait3A, %dma_wait3A_83] : memref<120x128xi32, #tpu.memory_space<vmem>> -> memref<1x128xi32, #tpu.memory_space<vmem>>
      %dma_wait3A_85 = tpu.memref_squeeze %dma_wait3A_84 : memref<1x128xi32, #tpu.memory_space<vmem>> -> memref<128xi32, #tpu.memory_space<vmem>>
      %dma_wait3A_86 = arith.constant 0 : i32
      %dma_wait3A_87 = tpu.memref_slice %arg2[%dma_wait3A_86] : memref<327680xi32, #tpu.memory_space<hbm>> -> memref<128xi32, #tpu.memory_space<hbm>>
      %dma_wait3A_88 = arith.constant 0 : i32
      %dma_wait3A_89 = tpu.memref_slice %arg4[%dma_wait3A, %dma_wait3A_88] : memref<120x128xi32, #tpu.memory_space<vmem>> -> memref<1x128xi32, #tpu.memory_space<vmem>>
      %dma_wait3A_90 = tpu.memref_squeeze %dma_wait3A_89 : memref<1x128xi32, #tpu.memory_space<vmem>> -> memref<128xi32, #tpu.memory_space<vmem>>
      %dma_wait3A_91 = arith.constant 0 : i32
      %dma_wait3A_92 = tpu.memref_slice %arg2[%dma_wait3A_91] : memref<327680xi32, #tpu.memory_space<hbm>> -> memref<128xi32, #tpu.memory_space<hbm>>
      tpu.wait_dma2 semaphore(%arg8 : memref<!tpu.dma_semaphore, #tpu.memory_space<semaphore_mem>>) src(%dma_wait3A_92 : memref<128xi32, #tpu.memory_space<hbm>>) dst(%dma_wait3A_90 : memref<128xi32, #tpu.memory_space<vmem>>)
      %while3A_93 = arith.constant 0 : i32
      scf.yield %while3A_93 : i32
    }
    %while3A_47 = arith.constant 1 : i32
    %while3A_48 = scf.for %while3A_81 = %while3A_44 to %while3A_40 step %while3A_47 iter_args(%while3A_82 = %while3A_46) -> (i32)  : i32 {
      %dma_wait3A = arith.constant 0 : i32
      %dma_wait3A_83 = arith.constant 0 : i32
      %dma_wait3A_84 = tpu.memref_slice %arg4[%dma_wait3A, %dma_wait3A_83] : memref<120x128xi32, #tpu.memory_space<vmem>> -> memref<1x128xi32, #tpu.memory_space<vmem>>
      %dma_wait3A_85 = tpu.memref_squeeze %dma_wait3A_84 : memref<1x128xi32, #tpu.memory_space<vmem>> -> memref<128xi32, #tpu.memory_space<vmem>>
      %dma_wait3A_86 = arith.constant 0 : i32
      %dma_wait3A_87 = tpu.memref_slice %arg2[%dma_wait3A_86] : memref<327680xi32, #tpu.memory_space<hbm>> -> memref<128xi32, #tpu.memory_space<hbm>>
      %dma_wait3A_88 = arith.constant 0 : i32
      %dma_wait3A_89 = tpu.memref_slice %arg4[%dma_wait3A, %dma_wait3A_88] : memref<120x128xi32, #tpu.memory_space<vmem>> -> memref<1x128xi32, #tpu.memory_space<vmem>>
      %dma_wait3A_90 = tpu.memref_squeeze %dma_wait3A_89 : memref<1x128xi32, #tpu.memory_space<vmem>> -> memref<128xi32, #tpu.memory_space<vmem>>
      %dma_wait3A_91 = arith.constant 0 : i32
      %dma_wait3A_92 = tpu.memref_slice %arg2[%dma_wait3A_91] : memref<327680xi32, #tpu.memory_space<hbm>> -> memref<128xi32, #tpu.memory_space<hbm>>
      tpu.wait_dma2 semaphore(%arg8 : memref<!tpu.dma_semaphore, #tpu.memory_space<semaphore_mem>>) src(%dma_wait3A_92 : memref<128xi32, #tpu.memory_space<hbm>>) dst(%dma_wait3A_90 : memref<128xi32, #tpu.memory_space<vmem>>)
      %while3A_93 = arith.constant 0 : i32
      scf.yield %while3A_93 : i32
    }
    %barrier3A = arith.constant 0 : index
    tpu.barrier barrier_id(%barrier3A)
    %while3A_49 = arith.constant 0 : i32
    %while3A_50 = arith.constant 0 : i32
    %while3A_51 = arith.subi %select_n3A, %while3A_49 : i32
    %while3A_52 = arith.addi %while3A_49, %while3A_51 : i32
    %while3A_53 = arith.constant 1 : i32
    %while3A_54 = arith.divsi %while3A_51, %while3A_53 : i32
    %while3A_55 = arith.muli %while3A_54, %while3A_53 : i32
    %while3A_56 = arith.addi %while3A_49, %while3A_55 : i32
    %while3A_57 = arith.constant 1 : i32
    %while3A_58 = scf.for %while3A_81 = %while3A_49 to %while3A_56 step %while3A_57 iter_args(%while3A_82 = %while3A_50) -> (i32)  : i32 {
      %dma_start3A = arith.constant 0 : i32
      %dma_start3A_83 = tpu.memref_slice %arg4[%while3A_81, %dma_start3A] : memref<120x128xi32, #tpu.memory_space<vmem>> -> memref<1x128xi32, #tpu.memory_space<vmem>>
      %dma_start3A_84 = tpu.memref_squeeze %dma_start3A_83 : memref<1x128xi32, #tpu.memory_space<vmem>> -> memref<128xi32, #tpu.memory_space<vmem>>
      %dma_start3A_85 = arith.constant 0 : i32
      %dma_start3A_86 = tpu.memref_slice %arg7[%dma_start3A_85] : memref<10240xf32, #tpu.memory_space<vmem_shared>> -> memref<10240xf32, #tpu.memory_space<vmem_shared>>
      tpu.enqueue_indirect_dma source(%arg5 : memref<128xf32, #tpu.memory_space<vmem>>) target(%dma_start3A_86 : memref<10240xf32, #tpu.memory_space<vmem_shared>>) offsets(%dma_start3A_84 : memref<128xi32, #tpu.memory_space<vmem>>) semaphore(%arg9 : memref<!tpu.dma_semaphore, #tpu.memory_space<semaphore_mem>>) {add = true}
      %while3A_87 = arith.constant 0 : i32
      scf.yield %while3A_87 : i32
    }
    %while3A_59 = arith.constant 1 : i32
    %while3A_60 = scf.for %while3A_81 = %while3A_56 to %while3A_52 step %while3A_59 iter_args(%while3A_82 = %while3A_58) -> (i32)  : i32 {
      %dma_start3A = arith.constant 0 : i32
      %dma_start3A_83 = tpu.memref_slice %arg4[%while3A_81, %dma_start3A] : memref<120x128xi32, #tpu.memory_space<vmem>> -> memref<1x128xi32, #tpu.memory_space<vmem>>
      %dma_start3A_84 = tpu.memref_squeeze %dma_start3A_83 : memref<1x128xi32, #tpu.memory_space<vmem>> -> memref<128xi32, #tpu.memory_space<vmem>>
      %dma_start3A_85 = arith.constant 0 : i32
      %dma_start3A_86 = tpu.memref_slice %arg7[%dma_start3A_85] : memref<10240xf32, #tpu.memory_space<vmem_shared>> -> memref<10240xf32, #tpu.memory_space<vmem_shared>>
      tpu.enqueue_indirect_dma source(%arg5 : memref<128xf32, #tpu.memory_space<vmem>>) target(%dma_start3A_86 : memref<10240xf32, #tpu.memory_space<vmem_shared>>) offsets(%dma_start3A_84 : memref<128xi32, #tpu.memory_space<vmem>>) semaphore(%arg9 : memref<!tpu.dma_semaphore, #tpu.memory_space<semaphore_mem>>) {add = true}
      %while3A_87 = arith.constant 0 : i32
      scf.yield %while3A_87 : i32
    }
    %while3A_61 = arith.constant 0 : i32
    %while3A_62 = arith.constant 0 : i32
    %while3A_63 = arith.subi %select_n3A, %while3A_61 : i32
    %while3A_64 = arith.addi %while3A_61, %while3A_63 : i32
    %while3A_65 = arith.constant 1 : i32
    %while3A_66 = arith.divsi %while3A_63, %while3A_65 : i32
    %while3A_67 = arith.muli %while3A_66, %while3A_65 : i32
    %while3A_68 = arith.addi %while3A_61, %while3A_67 : i32
    %while3A_69 = arith.constant 1 : i32
    %while3A_70 = scf.for %while3A_81 = %while3A_61 to %while3A_68 step %while3A_69 iter_args(%while3A_82 = %while3A_62) -> (i32)  : i32 {
      %dma_wait3A = arith.constant 0 : i32
      %dma_wait3A_83 = arith.constant 0 : i32
      %dma_wait3A_84 = tpu.memref_slice %arg4[%dma_wait3A, %dma_wait3A_83] : memref<120x128xi32, #tpu.memory_space<vmem>> -> memref<1x128xi32, #tpu.memory_space<vmem>>
      %dma_wait3A_85 = tpu.memref_squeeze %dma_wait3A_84 : memref<1x128xi32, #tpu.memory_space<vmem>> -> memref<128xi32, #tpu.memory_space<vmem>>
      %dma_wait3A_86 = arith.constant 0 : i32
      %dma_wait3A_87 = tpu.memref_slice %arg7[%dma_wait3A_86] : memref<10240xf32, #tpu.memory_space<vmem_shared>> -> memref<10240xf32, #tpu.memory_space<vmem_shared>>
      tpu.wait_indirect_dma semaphore(%arg9 : memref<!tpu.dma_semaphore, #tpu.memory_space<semaphore_mem>>) src(%arg5 : memref<128xf32, #tpu.memory_space<vmem>>) dst(%dma_wait3A_87 : memref<10240xf32, #tpu.memory_space<vmem_shared>>)
      %while3A_88 = arith.constant 0 : i32
      scf.yield %while3A_88 : i32
    }
    %while3A_71 = arith.constant 1 : i32
    %while3A_72 = scf.for %while3A_81 = %while3A_68 to %while3A_64 step %while3A_71 iter_args(%while3A_82 = %while3A_70) -> (i32)  : i32 {
      %dma_wait3A = arith.constant 0 : i32
      %dma_wait3A_83 = arith.constant 0 : i32
      %dma_wait3A_84 = tpu.memref_slice %arg4[%dma_wait3A, %dma_wait3A_83] : memref<120x128xi32, #tpu.memory_space<vmem>> -> memref<1x128xi32, #tpu.memory_space<vmem>>
      %dma_wait3A_85 = tpu.memref_squeeze %dma_wait3A_84 : memref<1x128xi32, #tpu.memory_space<vmem>> -> memref<128xi32, #tpu.memory_space<vmem>>
      %dma_wait3A_86 = arith.constant 0 : i32
      %dma_wait3A_87 = tpu.memref_slice %arg7[%dma_wait3A_86] : memref<10240xf32, #tpu.memory_space<vmem_shared>> -> memref<10240xf32, #tpu.memory_space<vmem_shared>>
      tpu.wait_indirect_dma semaphore(%arg9 : memref<!tpu.dma_semaphore, #tpu.memory_space<semaphore_mem>>) src(%arg5 : memref<128xf32, #tpu.memory_space<vmem>>) dst(%dma_wait3A_87 : memref<10240xf32, #tpu.memory_space<vmem_shared>>)
      %while3A_88 = arith.constant 0 : i32
      scf.yield %while3A_88 : i32
    }
    %barrier3A_73 = arith.constant 0 : index
    tpu.barrier barrier_id(%barrier3A_73)
    %mul3A_74 = arith.constant 640 : i32
    %mul3A_75 = arith.muli %arg1, %mul3A_74 : i32
    "tpu.region"() ({
      %run_scoped3A = tpu.sem_alloc : memref<!tpu.dma_semaphore, #tpu.memory_space<semaphore_mem>>
      %dma_start3A = tpu.memref_slice %arg7[%mul3A_75] : memref<10240xf32, #tpu.memory_space<vmem_shared>> -> memref<640xf32, #tpu.memory_space<vmem_shared>>
      %dma_start3A_81 = tpu.memref_slice %arg7[%mul3A_75] : memref<10240xf32, #tpu.memory_space<vmem_shared>> -> memref<640xf32, #tpu.memory_space<vmem_shared>>
      tpu.enqueue_dma source(%dma_start3A_81 : memref<640xf32, #tpu.memory_space<vmem_shared>>) target(%arg6 : memref<640xf32, #tpu.memory_space<vmem>>) target_semaphore(%run_scoped3A : memref<!tpu.dma_semaphore, #tpu.memory_space<semaphore_mem>>)
      %dma_wait3A = tpu.memref_slice %arg7[%mul3A_75] : memref<10240xf32, #tpu.memory_space<vmem_shared>> -> memref<640xf32, #tpu.memory_space<vmem_shared>>
      %dma_wait3A_82 = tpu.memref_slice %arg7[%mul3A_75] : memref<10240xf32, #tpu.memory_space<vmem_shared>> -> memref<640xf32, #tpu.memory_space<vmem_shared>>
      tpu.wait_dma2 semaphore(%run_scoped3A : memref<!tpu.dma_semaphore, #tpu.memory_space<semaphore_mem>>) src(%dma_wait3A_82 : memref<640xf32, #tpu.memory_space<vmem_shared>>) dst(%arg6 : memref<640xf32, #tpu.memory_space<vmem>>)
      tpu.yield
    }) : () -> ()
    %mul3A_76 = arith.constant 10240 : i32
    %mul3A_77 = arith.muli %arg0, %mul3A_76 : i32
    %mul3A_78 = arith.constant 640 : i32
    %mul3A_79 = arith.muli %arg1, %mul3A_78 : i32
    %add3A_80 = arith.addi %mul3A_77, %mul3A_79 : i32
    "tpu.region"() ({
      %run_scoped3A = tpu.sem_alloc : memref<!tpu.dma_semaphore, #tpu.memory_space<semaphore_mem>>
      %dma_start3A = tpu.memref_slice %arg3[%add3A_80] : memref<20480xf32, #tpu.memory_space<hbm>> -> memref<640xf32, #tpu.memory_space<hbm>>
      %dma_start3A_81 = tpu.memref_slice %arg3[%add3A_80] : memref<20480xf32, #tpu.memory_space<hbm>> -> memref<640xf32, #tpu.memory_space<hbm>>
      tpu.enqueue_dma source(%arg6 : memref<640xf32, #tpu.memory_space<vmem>>) target(%dma_start3A_81 : memref<640xf32, #tpu.memory_space<hbm>>) target_semaphore(%run_scoped3A : memref<!tpu.dma_semaphore, #tpu.memory_space<semaphore_mem>>)
      %dma_wait3A = tpu.memref_slice %arg3[%add3A_80] : memref<20480xf32, #tpu.memory_space<hbm>> -> memref<640xf32, #tpu.memory_space<hbm>>
      %dma_wait3A_82 = tpu.memref_slice %arg3[%add3A_80] : memref<20480xf32, #tpu.memory_space<hbm>> -> memref<640xf32, #tpu.memory_space<hbm>>
      tpu.wait_dma2 semaphore(%run_scoped3A : memref<!tpu.dma_semaphore, #tpu.memory_space<semaphore_mem>>) src(%arg6 : memref<640xf32, #tpu.memory_space<vmem>>) dst(%dma_wait3A_82 : memref<640xf32, #tpu.memory_space<hbm>>)
      tpu.yield
    }) : () -> ()
    return
  }
}

</mosaic_0001>

<sc_bundles>
// kernel: _sc_deg.3.cloned.1.call-start
scs
__scs_entry_jumppad:
0x0: {  	(pc) =	sbr.rel $0x88, $3  }
0x1: {  	(tag) =	ssettag $0x0;
	lr =	simm.s32 $0x1  }
0x2: {  	[smem:$0x3FA0] =	sst lr;
	_ =	strace $0xD0000000  }
0x3: {  	_ = 	snop  }
0x4: {  	_ = 	snop  }
0x5: {  	_ = 	snop  }
0x6: {  	_ = 	snop  }
0x7: {  	_ = 	snop  }
__scs_overlays_trampoline_lowered:
0x8: {  	[smem:$0x3FAF] =	sst s0  }
0x9: {  	[smem:$0x3FB0] =	sst s1  }
0xa: {  	[smem:$0x3FB1] =	sst s2  }
0xb: {  	[smem:$0x3FB2] =	sst s3  }
0xc: {  	[smem:$0x3FB3] =	sst s4  }
0xd: {  	[smem:$0x3FB4] =	sst s5  }
0xe: {  	[smem:$0x3FB5] =	sst s6  }
0xf: {  	[smem:$0x3FB6] =	sst s7  }
0x10: {  	[smem:$0x3FB7] =	sst s8  }
0x11: {  	[smem:$0x3FB8] =	sst s9;
	s0 =	simm.s32 @!p0 $0x0  }
0x12: {  	s1 =	sld [smem:$0x3F9E];
	s0 =	simm.s32 @p0 $0x1  }
0x13: {  	[smem:$0x3FB9] =	sst s0;
	s0 =	simm.s32 @!p1 $0x0  }
0x14: {  	s2 =	sld [smem:$0x3F9D];
	s0 =	simm.s32 @p1 $0x1  }
0x15: {  	[smem:$0x3FBA] =	sst s0;
	s0 =	simm.s32 @!p2 $0x0  }
0x16: {  	s3 =	sld [smem:$0x3FDB];
	s0 =	simm.s32 @p2 $0x1  }
0x17: {  	s4 =	simm.s32 $0x1BF5;
	[smem:$0x3FBC] =	sst s0  }
0x18: {  	s0 =	sld [smem:$0x3F9F];
	_ =	swait.ge [sflag:s4], $0x0  }
0x19: {  	s7 =	sld [smem:$0x3FA0]  }
0x1a: {  	s8 =	sadd.s32 $0xFFFFE003, lr  }
0x1b: {  	s9 =	sadd.s32 $0xFFFFFEF7, lr;
	s5 =	simm.s32 $0xFFFFFFFF;
	p2 =	slt.u32 s8, $0xFFFFF086  }
0x1c: {  	p1 =	slt.u32 s9, $0xF7A;
	s5 =	simm.s32 @!p2 $0x0  }
0x1d: {  	s5 =	simm.s32 @p1 $0x1;
	p0 =	seq.s32 s7, s2  }
0x1e: {  	s7 =	smul.u32 @!p0 $0xF7A, s2;
	p2 =	seq.s32 @!p0 s5, $0x0  }
0x1f: {  	s9 =	smul.u32 $0xF7A, s1;
	s8 =	simm.s32 @!p0 $0x1BF5;
	p2 =	por !p2, p0  }
0x20: {  	[sflag:s8] =	ssyncset.s32 @!p0 $0xFFFFF086;
	s6 =	sadd.s32 @!p0 s3, s7;
	s7 =	simm.s32 @!p0 $0x108  }
0x21: {  	s3 =	sadd.s32 s3, s9;
	s6 =	sadd.s32 @!p0 $0x88, s6;
	s7 =	simm.s32 @p2 $0x1082  }
0x22: {  	[simem:s7], [sflag:s8] =	dma.local @!p0 [hbm:s6], $0xF7A  }
0x23: {  	s9 =	sor.u32 $0xD0000000, s2;
	s6 =	simm.s32 $0x108;
	_ =	swait.ge @!p0 [sflag:s8], $0x0  }
0x24: {  	s3 =	sadd.s32 $0x88, s3;
	s6 =	simm.s32 @!p1 $0x1082;
	[sflag:s4] =	ssyncset.s32 $0xFFFFF086  }
0x25: {  	[simem:s6], [sflag:s4] =	dma.local [hbm:s3], $0xF7A  }
0x26: {  	[smem:$0x3FA0] =	sst s1;
	(tag) =	ssettag s2;
	_ =	strace s9  }
0x27: {  	s1 =	sld [smem:$0x3FB0]  }
0x28: {  	s2 =	sld [smem:$0x3FB1]  }
0x29: {  	s4 =	sld [smem:$0x3FB3]  }
0x2a: {  	p0 =	seq.s32 s5, $0x0;
	s5 =	sld [smem:$0x3FB4]  }
0x2b: {  	s6 =	sld [smem:$0x3FB5]  }
0x2c: {  	s7 =	sld [smem:$0x3FB6]  }
0x2d: {  	s3 =	simm.s32 $0x108;
	s8 =	sld [smem:$0x3FB7]  }
0x2e: {  	s3 =	simm.s32 @!p0 $0x1082;
	s9 =	sld [smem:$0x3FB8]  }
0x2f: {  	lr =	sadd.s32 s0, s3;
	s0 =	sld [smem:$0x3FAF]  }
0x30: {  	s3 =	sld [smem:$0x3FB2]  }
0x31: {  	[smem:$0x3FBB] =	sst s10  }
0x32: {  	s10 =	sld [smem:$0x3FB9];
	_ =	sdelay $0x3  }
0x33: {  	p0 =	seq.s32 s10, $0x1;
	s10 =	sld [smem:$0x3FBB];
	_ =	sdelay $0x3  }
0x34: {  	[smem:$0x3FBB] =	sst s10  }
0x35: {  	s10 =	sld [smem:$0x3FBA];
	_ =	sdelay $0x3  }
0x36: {  	p1 =	seq.s32 s10, $0x1;
	s10 =	sld [smem:$0x3FBB];
	_ =	sdelay $0x3  }
0x37: {  	[smem:$0x3FBB] =	sst s10  }
0x38: {  	s10 =	sld [smem:$0x3FBC]  }
0x39: {  	_ = 	snop;
	(pc) =	sbr.ind lr, $3  }
0x3a: {  	_ = 	snop  }
0x3b: {  	_ = 	snop  }
0x3c: {  	p2 =	seq.s32 s10, $0x1;
	s10 =	sld [smem:$0x3FBB]  }
0x3d: {  	_ =	shalt  }
0x3e: {  	_ =	shalt  }
0x3f: {  	_ =	shalt  }
0x40: {  	_ =	shalt  }
0x41: {  	_ =	shalt  }
0x42: {  	_ =	shalt  }
0x43: {  	_ =	shalt  }
0x44: {  	_ =	shalt  }
0x45: {  	_ =	shalt  }
0x46: {  	_ =	shalt  }
0x47: {  	_ =	shalt  }
0x48: {  	_ =	shalt  }
0x49: {  	_ =	shalt  }
0x4a: {  	_ =	shalt  }
0x4b: {  	_ =	shalt  }
0x4c: {  	_ =	shalt  }
0x4d: {  	_ =	shalt  }
0x4e: {  	_ =	shalt  }
0x4f: {  	_ =	shalt  }
0x50: {  	_ =	shalt  }
0x51: {  	_ =	shalt  }
0x52: {  	_ =	shalt  }
0x53: {  	_ =	shalt  }
0x54: {  	_ =	shalt  }
0x55: {  	_ =	shalt  }
0x56: {  	_ =	shalt  }
0x57: {  	_ =	shalt  }
0x58: {  	_ =	shalt  }
0x59: {  	_ =	shalt  }
0x5a: {  	_ =	shalt  }
0x5b: {  	_ =	shalt  }
0x5c: {  	_ =	shalt  }
0x5d: {  	_ =	shalt  }
0x5e: {  	_ =	shalt  }
0x5f: {  	_ =	shalt  }
0x60: {  	_ =	shalt  }
0x61: {  	_ =	shalt  }
0x62: {  	_ =	shalt  }
0x63: {  	_ =	shalt  }
0x64: {  	_ =	shalt  }
0x65: {  	_ =	shalt  }
0x66: {  	_ =	shalt  }
0x67: {  	_ =	shalt  }
0x68: {  	_ =	shalt  }
0x69: {  	_ =	shalt  }
0x6a: {  	_ =	shalt  }
0x6b: {  	_ =	shalt  }
0x6c: {  	_ =	shalt  }
0x6d: {  	_ =	shalt  }
0x6e: {  	_ =	shalt  }
0x6f: {  	_ =	shalt  }
0x70: {  	_ =	shalt  }
0x71: {  	_ =	shalt  }
0x72: {  	_ =	shalt  }
0x73: {  	_ =	shalt  }
0x74: {  	_ =	shalt  }
0x75: {  	_ =	shalt  }
0x76: {  	_ =	shalt  }
0x77: {  	_ =	shalt  }
0x78: {  	_ =	shalt  }
0x79: {  	_ =	shalt  }
0x7a: {  	_ =	shalt  }
0x7b: {  	_ =	shalt  }
0x7c: {  	_ =	shalt  }
0x7d: {  	_ =	shalt  }
0x7e: {  	_ =	shalt  }
0x7f: {  	_ =	shalt  }
0x80: {  	_ =	shalt  }
0x81: {  	_ =	shalt  }
0x82: {  	_ =	shalt  }
0x83: {  	_ =	shalt  }
0x84: {  	_ =	shalt  }
0x85: {  	_ =	shalt  }
0x86: {  	_ =	shalt  }
0x87: {  	_ =	shalt  }
.Lfunc_end0:
.L_simem_size_0:
called_computation_lowered:
.L_overlay_start_0:
0x88: {  	s2 =	sld [smem:$0x3FD9]  }
0x89: {  	s3 =	sld [smem:$0x3FFE];
	_ =	sdelay $0x1  }
0x8a: {  	s1 =	srdreg.scid  }
0x8b: {  	s0 =	sand.u32 $0x1, s1  }
0x8c: {  	s18 =	sshll.u32 s0, $0xA;
	s2 =	sadd.s32 s3, s2  }
0x8d: {  	s2 =	sadd.s32 s2, s18  }
0x8e: {  	[smem:$0x3FC7] =	sst s2  }
0x8f: {  	_ = 	snop  }
0x90: {  	s2 =	sld [smem:$0x3FC9]  }
0x91: {  	s19 =	sld [smem:$0x3FD0];
	(tm) =	ssettm $0x1  }
0x92: {  	s4 =	sld [smem:$0x3FFB];
	_ =	sdelay $0x3  }
0x93: {  	_ =	strace s4  }
0x94: {  	s4 =	sld [smem:$0x3FFC];
	_ =	sdelay $0x3  }
0x95: {  	_ =	strace s4  }
0x96: {  	s4 =	sld [smem:$0x3FFD];
	_ =	sdelay $0x3  }
0x97: {  	_ =	strace s4  }
0x98: {  	_ =	strace $0x8FFFFFFF  }
0x99: {  	s20 =	sld [smem:$0x3FDB];
	_ =	sdelay $0x1  }
0x9a: {  	s5 =	simm.s32 $_scs_section_size  }
0x9b: {  	s6 =	simm.s32 $_size__tile_overlayer_lowered;
	s7 =	simm.s32 $_tile_overlayer_lowered  }
0x9c: {  	s23 =	simm.s32 $0x1BFF;
	s22 =	sshll.u32 s7, $0x1;
	s4 =	sadd.s32 s5, s20  }
0x9d: {  	s8 =	simm.s32 $0x0;
	s21 =	sshll.u32 s6, $0x1;
	s6 =	sadd.s32 s22, s4  }
0x9e: {  	[timem:s8], [sflag:s23] =	dma.local [hbm:s6], s21  }
0x9f: {  	_ =	swait.ge [sflag:s23], s21  }
0xa0: {  	s5 =	ssub.s32 $0x0, s21;
	[sflag:s23] =	ssyncset.done $0x0  }
0xa1: {  	[sflag:s23] =	ssyncadd.s32 s5;
	_ =	sdelay $0x1  }
0xa2: {  	s24 =	simm.s32 $0x1B8B  }
0xa3: {  	_ =	swait.ge [sflag:s24], $0x1  }
0xa4: {  	[sflag:s24] =	ssyncset.done $0x0  }
0xa5: {  	s25 =	simm.s32 $0x1B8E;
	[sflag:s24] =	ssyncadd.s32 $0xFFFFFFFF  }
0xa6: {  	s26 =	simm.s32 $execute0_lowered;
	[smem:$0x3FD2] =	sst s25  }
0xa7: {  	s5 =	sshll.u32 s26, $0x1;
	_ =	strace $0x80000046;
	[dreg:$0x1] =	wrdreg $0xFFFFFFFF  }
0xa8: {  	s28 =	simm.s32 $_size_execute0_lowered;
	s4 =	sadd.s32 s4, s5;
	[dreg:$0x0] =	wrdreg $0x0  }
0xa9: {  	s5 =	sshll.u32 s28, $0x1;
	[dreg:$0x2] =	wrdreg s4  }
0xaa: {  	[dreg:$0x3] =	wrdreg s5  }
0xab: {  	[dreg:$0x4] =	wrdreg $0xC0  }
0xac: {  	_ =	task [dreg:s8], $0x5FFFF  }
0xad: {  	[dreg:$0x1] =	wrdreg $0xFFFFFFFF  }
0xae: {  	[dreg:$0x0] =	wrdreg $0x60  }
0xaf: {  	[dreg:$0x2] =	wrdreg s2  }
0xb0: {  	[dreg:$0x3] =	wrdreg s19  }
0xb1: {  	[dreg:$0x4] =	wrdreg $0x3F000  }
0xb2: {  	[dreg:$0x5] =	wrdreg $0x9  }
0xb3: {  	_ =	task.clear_ibuf [dreg:s8], $0x6FFFF;
	_ =	strace $0x90000046  }
0xb4: {  	s29 =	simm.s32 $0x9;
	_ =	strace $0x80000048  }
0xb5: {  	_ =	swait.ge [sflag:s29], $0x1  }
0xb6: {  	[sflag:s29] =	ssyncadd.s32 $0xFFFFFFFF  }
0xb7: {  	_ =	strace $0x90000048  }
0xb8: {  	_ =	sfence  }
0xb9: {  	s30 =	sld [smem:$0x0];
	_ =	sdelay $0x2  }
0xba: {  	s31 =	sshll.u32 s1, $0xD;
	s1 =	sshrl.u32 s1, $0x2  }
0xbb: {  	s3 =	sand.u32 $0x4000, s31;
	s1 =	sadd.s32 s1, s30  }
0xbc: {  	s0 =	sor.u32 s3, s0;
	s1 =	sshll.u32 s1, $0x11  }
0xbd: {  	s0 =	sor.u32 s1, s0  }
0xbe: {  	s0 =	sadd.s32 $0x8F2B, s0  }
0xbf: {  	[sflag:s0] =	ssyncadd.remote.s32 $0x1  }
0xc0: {  	_ =	sfence.sel $0xFFFF  }
0xc1: {  	[dreg:$0x0] =	wrdreg $0xFFFFFFFF;
	(pc) =	sbr.abs _section_cstart, $3  }
0xc2: {  	[dreg:$0x1] =	wrdreg $0xFFFFFFFF  }
0xc3: {  	_ =	task.clear_ibuf [dreg:s8], $0x2FFFF;
	_ =	strace $0x9FFFFFFF  }
0xc4: {  	(tm) =	ssettm $0x7FFFFFFF  }
0xc5: {  	_ =	shalt  }
tec
execute0_lowered:
.L_overlay_start_1:
0x0: {  	(tag) =	ssettag $0x1  }
0x1: {  	s8 =	rddreg [dreg:$0x0]  }
0x2: {  	s6 =	rddreg [dreg:$0x1]  }
0x3: {  	s2 =	rddreg [dreg:$0x2]  }
0x4: {  	s0 =	rddreg [dreg:$0x3]  }
0x5: {  	s4 =	srdreg.scid;
	s1 =	stileid.u32  }
0x6: {  	s3 =	simm.s32 $0x0;
	s13 =	simm.s32 $0x3C00;
	s14 =	simm.s32 $0x2  }
0x7: {  	s15 =	simm.s32 $0x0;
	s4 =	sand.u32 $0x1, s4;
	s5 =	smul.u32 $0x28, s1  }
0x8: {  	[smem:$0x7FF] =	sst s3;
	s9 =	smul.u32 $0x280, s1;
	s7 =	ssub.s32 $0x2, s4  }
0x9: {  	_ =	strace $0x80000047;
	s11 =	smul.u32 $0x2800, s4;
	p0 =	seq.s32 s4, $0x0  }
0xa: {  	s4 =	simm.s32 $0x78;
	s10 =	sshrl.u32 s7, $0x1;
	s12 =	sadd.s32 $0x780, s5  }
0xb: {  	s4 =	simm.s32 @!p0 $0x28;
	s7 =	ssub.s32 s7, s10;
	s10 =	smul.u32 $0x78, s1  }
0xc: {  	s5 =	sadd.s32 s9, s2;
	s29 =	sadd.s32 s9, s11;
	s9 =	simm.s32 $0x3C80  }
0xd: {  	s11 =	simm.s32 $0x1;
	s30 =	sshrl.u32 s29, $0x3;
	s12 =	smov.u32 @p0 s10  }
0xe: {  	s7 =	smax.u32 s7, $0x1;
	s6 =	sadd.s32 s6, s30;
	s31 =	sshll.u32 s12, $0x4  }
0xf: {  	v0 =	vimm.f32 $1.000000000e+00;
	v1 =	vimm.f32 $0.0e+00;
	s10 =	simm.s32 $0x3;
	s12 =	simm.s32 $0x80;
	s8 =	sadd.s32 s31, s8  }
.LBB2_1:
0x10: {  	p0 =	sne.s32 s4, $0x1  }
.Ltmp0:
0x11: {  	_ = 	snop;
	(pc) =	sbr.rel @!p0 .LBB2_3-.Ltmp0, $3  }
0x12: {  	_ =	sdelay $0x1  }
0x13: {  	[tilespmem:s3], [sflag:$0x1] =	stream.linear.gather [hbm4b:s8+s3], $0x80, $0x38;
	[tilespmem:$0x4180] =	vst v63  }
0x14: {  	s16 =	sadd.s32 $0xFFFFFFFF, s4;
	s17 =	simm.s32 $0x0;
	s18 =	smov.u32 s8  }
.LBB2_2:
0x15: {  	p1 =	sne.s32 s16, $0x1  }
.Ltmp1:
0x16: {  	_ = 	snop;
	(pc) =	sbr.rel @p1 .LBB2_2-.Ltmp1, $4  }
0x17: {  	_ = 	snop  }
0x18: {  	s17 =	sadd.s32 $0x80, s17;
	s18 =	sadd.s32 $0x10, s18  }
0x19: {  	s16 =	sadd.s32 $0xFFFFFFFF, s16  }
0x1a: {  	[tilespmem:s17], [sflag:$0x1] =	stream.linear.gather [hbm4b:s18+s3], $0x80, $0x38;
	[tilespmem:$0x4180] =	vst v63  }
.LBB2_3:
0x1b: {  	[tilespmem:$0x3C00] =	vst v0  }
0x1c: {  	[tilespmem:$0x3C10] =	vst v0  }
0x1d: {  	[tilespmem:$0x3C20] =	vst v0  }
0x1e: {  	[tilespmem:$0x3C30] =	vst v0  }
0x1f: {  	[tilespmem:$0x3C40] =	vst v0  }
0x20: {  	[tilespmem:$0x3C50] =	vst v0  }
0x21: {  	[tilespmem:$0x3C60] =	vst v0  }
0x22: {  	[tilespmem:$0x3C70] =	vst v0  }
0x23: {  	[tilespmem:$0x3C80] =	vst v1  }
0x24: {  	[tilespmem:$0x3C90] =	vst v1  }
0x25: {  	[tilespmem:$0x3CA0] =	vst v1  }
0x26: {  	[tilespmem:$0x3CB0] =	vst v1  }
0x27: {  	[tilespmem:$0x3CC0] =	vst v1  }
0x28: {  	[tilespmem:$0x3CD0] =	vst v1  }
0x29: {  	[tilespmem:$0x3CE0] =	vst v1  }
0x2a: {  	[tilespmem:$0x3CF0] =	vst v1  }
0x2b: {  	[tilespmem:$0x3D00] =	vst v1  }
0x2c: {  	[tilespmem:$0x3D10] =	vst v1  }
0x2d: {  	[tilespmem:$0x3D20] =	vst v1  }
0x2e: {  	[tilespmem:$0x3D30] =	vst v1  }
0x2f: {  	[tilespmem:$0x3D40] =	vst v1  }
0x30: {  	[tilespmem:$0x3D50] =	vst v1  }
0x31: {  	[tilespmem:$0x3D60] =	vst v1  }
0x32: {  	[tilespmem:$0x3D70] =	vst v1  }
0x33: {  	[tilespmem:$0x3D80] =	vst v1  }
0x34: {  	[tilespmem:$0x3D90] =	vst v1  }
0x35: {  	[tilespmem:$0x3DA0] =	vst v1  }
0x36: {  	[tilespmem:$0x3DB0] =	vst v1  }
0x37: {  	[tilespmem:$0x3DC0] =	vst v1  }
0x38: {  	[tilespmem:$0x3DD0] =	vst v1  }
0x39: {  	[tilespmem:$0x3DE0] =	vst v1  }
0x3a: {  	[tilespmem:$0x3DF0] =	vst v1  }
0x3b: {  	[tilespmem:$0x3E00] =	vst v1  }
0x3c: {  	[tilespmem:$0x3E10] =	vst v1  }
0x3d: {  	[tilespmem:$0x3E20] =	vst v1  }
0x3e: {  	[tilespmem:$0x3E30] =	vst v1  }
0x3f: {  	[tilespmem:$0x3E40] =	vst v1  }
0x40: {  	[tilespmem:$0x3E50] =	vst v1  }
0x41: {  	[tilespmem:$0x3E60] =	vst v1  }
0x42: {  	[tilespmem:$0x3E70] =	vst v1  }
0x43: {  	[tilespmem:$0x3E80] =	vst v1  }
0x44: {  	[tilespmem:$0x3E90] =	vst v1  }
0x45: {  	[tilespmem:$0x3EA0] =	vst v1  }
0x46: {  	[tilespmem:$0x3EB0] =	vst v1  }
0x47: {  	[tilespmem:$0x3EC0] =	vst v1  }
0x48: {  	[tilespmem:$0x3ED0] =	vst v1  }
0x49: {  	[tilespmem:$0x3EE0] =	vst v1  }
0x4a: {  	[tilespmem:$0x3EF0] =	vst v1  }
0x4b: {  	[spmem:s5] =	stream.linear.scatter [tilespmem:s9], [sflag:$0x3], $0x280, $0x38;
	[tilespmem:$0x4180] =	vst v63  }
.Ltmp2:
0x4c: {  	_ =	swait.ge [sflag:s10], $0x280;
	(pc) =	sbr.rel @!p0 .LBB2_5-.Ltmp2, $4  }
0x4d: {  	[sflag:s10] =	ssyncset.done $0x0  }
0x4e: {  	[sflag:s10] =	ssyncadd.s32 $0xFFFFFD80  }
0x4f: {  	_ =	swait.ge [sflag:s11], $0x80  }
0x50: {  	s16 =	sadd.s32 $0xFFFFFFFF, s4;
	[sflag:s11] =	ssyncset.done $0x0  }
.LBB2_4:
0x51: {  	p1 =	sne.s32 s16, $0x1;
	s16 =	sadd.s32 $0xFFFFFFFF, s16;
	[sflag:s11] =	ssyncadd.s32 $0xFFFFFF80  }
.Ltmp3:
0x52: {  	(pc) =	sbr.rel @p1 .LBB2_4-.Ltmp3, $3  }
0x53: {  	_ =	sdelay $0x1  }
0x54: {  	_ =	swait.ge [sflag:s11], $0x80  }
0x55: {  	[sflag:s11] =	ssyncset.done $0x0  }
.LBB2_5:
.Ltmp4:
0x56: {  	(pc) =	sbr.rel @!p0 .LBB2_7-.Ltmp4, $4  }
0x57: {  	_ = 	snop  }
0x58: {  	[sflag:s11] =	ssyncadd.s32 $0xFFFFFF80  }
0x59: {  	s16 =	simm.s32 $0x0;
	s17 =	sadd.s32 $0xFFFFFFFF, s4;
	[bflag:$0x0] =	sbarrier.arrive $0xFFFF  }
0x5a: {  	[spmem:s2] =	stream.indirect.scatter.add.f32 [tilespmem:s13], [sflag:$0x2], $0x1, s16, s12, $0xb8;
	[tilespmem:$0x4180] =	vst v63  }
.LBB2_6:
0x5b: {  	p1 =	sne.s32 s17, $0x1  }
.Ltmp5:
0x5c: {  	_ = 	snop;
	(pc) =	sbr.rel @p1 .LBB2_6-.Ltmp5, $3  }
0x5d: {  	_ = 	snop  }
0x5e: {  	s17 =	sadd.s32 $0xFFFFFFFF, s17;
	s16 =	sadd.s32 $0x80, s16;
	_ =	sdelay $0x1  }
0x5f: {  	[spmem:s2] =	stream.indirect.scatter.add.f32 [tilespmem:s13], [sflag:$0x2], $0x1, s16, s12, $0xb8;
	[tilespmem:$0x4180] =	vst v63  }
.LBB2_7:
.Ltmp6:
0x60: {  	(pc) =	sbr.rel @!p0 .LBB2_9-.Ltmp6, $3  }
0x61: {  	_ =	sdelay $0x1  }
0x62: {  	_ =	swait.ge [sflag:s14], $0x80  }
0x63: {  	s16 =	sadd.s32 $0xFFFFFFFF, s4;
	[sflag:s14] =	ssyncset.done $0x0  }
.LBB2_8:
0x64: {  	p0 =	sne.s32 s16, $0x1;
	s16 =	sadd.s32 $0xFFFFFFFF, s16;
	[sflag:s14] =	ssyncadd.s32 $0xFFFFFF80  }
.Ltmp7:
0x65: {  	(pc) =	sbr.rel @p0 .LBB2_8-.Ltmp7, $3  }
0x66: {  	_ =	sdelay $0x1  }
0x67: {  	_ =	swait.ge [sflag:s14], $0x80  }
0x68: {  	[sflag:s14] =	ssyncset.done $0x0  }
.LBB2_9:
0x69: {  	[sflag:s14] =	ssyncadd.s32 $0xFFFFFF80  }
0x6a: {  	[bflag:$0x0] =	sbarrier.arrive $0xFFFF  }
0x6b: {  	[tilespmem:s9], [sflag:$0x3] =	stream.linear.gather [spmem:s5], $0x280, $0x38;
	[tilespmem:$0x4180] =	vst v63  }
0x6c: {  	s15 =	sadd.s32 $0x1, s15;
	_ =	swait.ge [sflag:s10], $0x280  }
0x6d: {  	p0 =	sne.s32 s15, s7;
	[sflag:s10] =	ssyncset.done $0x0  }
.Ltmp8:
0x6e: {  	[sflag:s10] =	ssyncadd.s32 $0xFFFFFD80;
	(pc) =	sbr.rel @p0 .LBB2_1-.Ltmp8, $4  }
0x6f: {  	[hbm4b:s6+s3] =	stream.linear.scatter [tilespmem:s9], [sflag:$0x3], $0x280, $0x38;
	[tilespmem:$0x4180] =	vst v63  }
0x70: {  	_ =	swait.ge [sflag:s10], $0x280  }
0x71: {  	[sflag:s10] =	ssyncset.done $0x0  }
0x72: {  	[sflag:s10] =	ssyncadd.s32 $0xFFFFFD80  }
0x73: {  	_ =	sfence.sel $0x180000  }
0x74: {  	[bflag:$0x0] =	sbarrier.arrive $0xFFFF  }
0x75: {  	p0 =	sne.s32 s1, $0x0;
	_ =	strace $0x90000047  }
0x76: {  	s0 =	sadd.s32 @!p0 $0x100000, s0;
	[bflag:$0x2] =	sbarrier.arrive $0xFFFF  }
0x77: {  	[sflag:s0] =	ssyncadd.tile.s32 @!p0 $0x1;
	_ =	shalt  }
.Lfunc_end2:
_tile_overlayer_lowered:
.L_overlay_start_2:
0x78: {  	(tag) =	ssettag $0x2  }
0x79: {  	s0 =	rddreg [dreg:$0x0];
	s2 =	stileid.u32  }
0x7a: {  	s1 =	rddreg [dreg:$0x1];
	p0 =	sne.s32 s2, $0x0  }
0x7b: {  	s3 =	rddreg [dreg:$0x2];
	[bflag:$0x3] =	sbarrier.arrive $0xFFFF;
	s2 =	simm.s32 @!p0 $0x1C03  }
0x7c: {  	[timem:s3], [sflag:s2] =	dma.local @!p0 [hbm:s0], s1  }
0x7d: {  	s0 =	simm.s32 @!p0 $0x3  }
0x7e: {  	_ =	swait.ge @!p0 [sflag:s0], s1  }
0x7f: {  	s1 =	ssub.s32 @!p0 $0x0, s1;
	[sflag:s0] =	ssyncset.done @!p0 $0x0  }
0x80: {  	[sflag:s0] =	ssyncadd.s32 @!p0 s1  }
0x81: {  	[bflag:$0x3] =	sbarrier.arrive $0xFFFF  }
0x82: {  	_ =	shalt  }

</sc_bundles>
